<compile_context>
chip_gen: v7x
topology: tpu7x:2x2x1
jax: 0.10.2.dev20260603
libtpu: 0.0.44.dev20260713+nightly
codegen_flags: <defaults>
</compile_context>

<pallas_src>
import functools

import numpy as np

import jax
import jax.numpy as jnp
from jax import lax
from jax.experimental import pallas as pl
from jax.experimental.pallas import tpu as pltpu
from jax.experimental.pallas import tpu_sc as plsc

N = 16384
K = 1024
D = 64
R = 2048
BETA = 0.25
DECAY = 0.99
USAGE_LAMBDA = 0.005

_NW = 32
_BPW = N // _NW


def _make_reinit_table():
    r = jax.random.normal(jax.random.key(1), (K, D), dtype=jnp.float32)
    rn = jnp.linalg.norm(r, axis=-1, keepdims=True)
    return r / jnp.clip(rn, 1e-12, None) * 0.1


try:
    with jax.default_device(jax.local_devices(backend="cpu")[0]):
        _R_TABLE_T = np.asarray(_make_reinit_table()).T.copy()
except Exception:
    _R_TABLE_T = None


def _vq_body(xt_ref, cbt_ref, emac_ref, emast_ref, rt_ref,
             idx_ref, loss_ref, ent_ref, perp_ref, counts_ref,
             newcbt_ref, newcount_ref, newsumt_ref,
             sumvec_acc, cbn_scratch, sumx2_acc):
    i = pl.program_id(0)

    @pl.when(i == 0)
    def _init():
        sumvec_acc[...] = jnp.zeros_like(sumvec_acc)
        sumx2_acc[0] = jnp.float32(0.0)
        cbt = cbt_ref[...]
        cbnt = cbt / jnp.clip(
            jnp.sqrt(jnp.sum(cbt * cbt, axis=0, keepdims=True)), 1e-12, None)
        cbn_scratch[...] = jnp.transpose(cbnt)

    xt = xt_ref[...]
    s2 = jnp.sum(xt * xt, axis=0, keepdims=True)
    xnt = xt / jnp.clip(jnp.sqrt(s2), 1e-12, None)
    sumx2_acc[0] += jnp.sum(s2)
    sims = jax.lax.dot_general(cbn_scratch[...], xnt,
                               (((1,), (0,)), ((), ())),
                               preferred_element_type=jnp.float32)
    dist = 1.0 - sims
    m = jnp.min(dist, axis=0, keepdims=True)
    iota0 = jax.lax.broadcasted_iota(jnp.int32, (K, R), 0)
    idxmat = jnp.where(dist == m, iota0, jnp.int32(K))
    idx = jnp.min(idxmat, axis=0)
    one_hot = (iota0 == idx[None, :]).astype(jnp.float32)
    idx_ref[...] = idx

    xat = jnp.concatenate([xt, jnp.ones((8, R), dtype=jnp.float32)],
                          axis=0)
    sumvec_acc[...] += jax.lax.dot_general(
        xat, one_hot, (((1,), (1,)), ((), ())),
        preferred_element_type=jnp.float32)

    @pl.when(i == pl.num_programs(0) - 1)
    def _finalize():
        counts_row = sumvec_acc[D:D + 1, :]
        total = jnp.sum(counts_row)
        p = counts_row / (total + 1e-6)
        ent = -jnp.sum(p * jnp.log(p + 1e-12))
        logC = jnp.log(jnp.float32(K) + 1e-12)
        cbt = cbt_ref[...]
        cross = jnp.sum(cbt * sumvec_acc[:D, :])
        quad = jnp.sum(jnp.sum(cbt * cbt, axis=0, keepdims=True) * counts_row)
        sse = sumx2_acc[0] - 2.0 * cross + quad
        commit = BETA * sse / jnp.float32(N * D)
        loss_ref[...] = jnp.full((1, 1), commit + USAGE_LAMBDA * (logC - ent),
                                 dtype=jnp.float32)
        ent_ref[...] = jnp.full((1, 1), ent, dtype=jnp.float32)
        perp_ref[...] = jnp.full((1, 1), jnp.exp(ent), dtype=jnp.float32)
        counts_ref[...] = counts_row.reshape(K)
        emac_row = emac_ref[...].reshape(1, K)
        new_count = emac_row * DECAY + counts_row * (1.0 - DECAY)
        new_sumt = (emast_ref[...] * DECAY
                    + sumvec_acc[:D, :] * (1.0 - DECAY))
        n = new_count + 1e-5
        new_cbt = new_sumt / n
        dead = new_count < 0.001
        rt = rt_ref[...]
        newcbt_ref[...] = jnp.where(dead, rt, new_cbt)
        newsumt_ref[...] = jnp.where(dead, rt, new_sumt)
        newcount_ref[...] = jnp.where(dead, jnp.float32(1.0),
                                      new_count).reshape(K)


def _sc_gather_body(cb_hbm, idx_hbm, out_hbm, idx_v, rows_v, sem):
    wid = lax.axis_index("s") * 2 + lax.axis_index("c")
    base = wid * _BPW
    pltpu.sync_copy(idx_hbm.at[pl.ds(base, _BPW)], idx_v)
    pltpu.async_copy(cb_hbm.at[idx_v], rows_v, sem).wait()
    pltpu.sync_copy(rows_v, out_hbm.at[pl.ds(base, _BPW)])


_sc_gather = functools.partial(
    pl.kernel,
    mesh=plsc.VectorSubcoreMesh(core_axis_name="c", subcore_axis_name="s"),
    compiler_params=pltpu.CompilerParams(use_tc_tiling_on_sc=False),
    out_type=jax.ShapeDtypeStruct((N, D), jnp.float32),
    scratch_types=[
        pltpu.VMEM((_BPW,), jnp.int32),
        pltpu.VMEM((_BPW, D), jnp.float32),
        pltpu.SemaphoreType.DMA,
    ],
)(_sc_gather_body)


@functools.partial(jax.jit)
def kernel(x, codebook, ema_count, ema_sum):
    grid = N // R
    rt = (jnp.transpose(_make_reinit_table()) if _R_TABLE_T is None
          else jnp.asarray(_R_TABLE_T))

    out_shapes = (
        jax.ShapeDtypeStruct((N,), jnp.int32),
        jax.ShapeDtypeStruct((1, 1), jnp.float32),
        jax.ShapeDtypeStruct((1, 1), jnp.float32),
        jax.ShapeDtypeStruct((1, 1), jnp.float32),
        jax.ShapeDtypeStruct((K,), jnp.float32),
        jax.ShapeDtypeStruct((D, K), jnp.float32),
        jax.ShapeDtypeStruct((K,), jnp.float32),
        jax.ShapeDtypeStruct((D, K), jnp.float32),
    )
    in_specs = [
        pl.BlockSpec((D, R), lambda i: (0, i)),
        pl.BlockSpec((D, K), lambda i: (0, 0)),
        pl.BlockSpec((K,), lambda i: (0,)),
        pl.BlockSpec((D, K), lambda i: (0, 0)),
        pl.BlockSpec((D, K), lambda i: (0, 0)),
    ]
    out_specs = (
        pl.BlockSpec((R,), lambda i: (i,)),
        pl.BlockSpec((1, 1), lambda i: (0, 0)),
        pl.BlockSpec((1, 1), lambda i: (0, 0)),
        pl.BlockSpec((1, 1), lambda i: (0, 0)),
        pl.BlockSpec((K,), lambda i: (0,)),
        pl.BlockSpec((D, K), lambda i: (0, 0)),
        pl.BlockSpec((K,), lambda i: (0,)),
        pl.BlockSpec((D, K), lambda i: (0, 0)),
    )
    outs = pl.pallas_call(
        _vq_body,
        grid=(grid,),
        in_specs=in_specs,
        out_specs=out_specs,
        out_shape=out_shapes,
        scratch_shapes=[
            pltpu.VMEM((D + 8, K), jnp.float32),
            pltpu.VMEM((K, D), jnp.float32),
            pltpu.SMEM((1,), jnp.float32),
        ],
    )(x.T, codebook.T, ema_count, ema_sum.T, rt)
    (idx, vq, ent, perp, counts, new_cbt, new_count, new_sumt) = outs
    quant = _sc_gather(codebook, idx)
    return (quant, idx, vq[0, 0], ent[0, 0], perp[0, 0],
            counts, new_cbt.T, new_count, new_sumt.T)

# --- scband reference (transcript-rebuilt; emitter-appended) ---
"""Pipeline reference for scband-vector-quantizer-ema-1632087573352 (READ-ONLY COPY).

The authoritative reference and input builder live on the scoring server;
editing this copy changes nothing except your own understanding.
"""

import jax, jax.numpy as jnp
import numpy as np

NUM_CODES = 1024
EMBED_DIM = 64
BETA = 0.25
DECAY = 0.99
USAGE_LAMBDA = 0.005


def _normalize(v, axis=-1, eps=1e-12):
    n = jnp.linalg.norm(v, axis=axis, keepdims=True)
    return v / jnp.clip(n, eps, None)


def setup_inputs(seed: int = 0) -> dict:
    key = jax.random.key(seed)
    k1, k2 = jax.random.split(key)
    x = jax.random.normal(k1, (16384, EMBED_DIM), dtype=jnp.float32)
    codebook = jax.random.normal(k2, (NUM_CODES, EMBED_DIM), dtype=jnp.float32) * 0.1
    ema_count = jnp.zeros((NUM_CODES,), dtype=jnp.float32)
    ema_sum = jnp.zeros((NUM_CODES, EMBED_DIM), dtype=jnp.float32)
    return {"x": x, "codebook": codebook, "ema_count": ema_count, "ema_sum": ema_sum}


def reference(x, codebook, ema_count, ema_sum):
    # --- forward ---
    x_n = _normalize(x, axis=-1)
    cb_n = _normalize(codebook, axis=-1)
    sims = x_n @ cb_n.T
    distances = 1.0 - sims
    idx = jnp.argmin(distances, axis=1)
    quant = codebook[idx]
    commit_loss = BETA * jnp.mean((x - quant) ** 2)
    counts = jnp.bincount(idx, length=NUM_CODES).astype(jnp.float32)
    p = counts / (counts.sum() + 1e-06)
    entropy = -(p * jnp.log(p + 1e-12)).sum()
    logC = jnp.log(jnp.float32(NUM_CODES) + 1e-12)
    usage_loss = USAGE_LAMBDA * (logC - entropy)
    vq_loss = commit_loss + usage_loss
    # --- EMA codebook update (buffer update in torch, returned here) ---
    one_hot = jax.nn.one_hot(idx, NUM_CODES, dtype=jnp.float32)
    count = one_hot.sum(axis=0)
    sum_vec = one_hot.T @ x
    new_count = ema_count * DECAY + count * (1.0 - DECAY)
    new_sum = ema_sum * DECAY + sum_vec * (1.0 - DECAY)
    n = new_count + 1e-05
    new_codebook = new_sum / n[:, None]
    dead = new_count < 0.001
    r = jax.random.normal(jax.random.key(1), (NUM_CODES, EMBED_DIM), dtype=jnp.float32)
    r = _normalize(r, axis=-1) * 0.1
    new_codebook = jnp.where(dead[:, None], r, new_codebook)
    new_sum = jnp.where(dead[:, None], r, new_sum)
    new_count = jnp.where(dead, 1.0, new_count)
    perplexity = jnp.exp(entropy)
    return (quant, idx, vq_loss, entropy, perplexity, counts, new_codebook, new_count, new_sum)

if __name__ == "__main__":
    import jax
    _d = setup_inputs()
    print(jax.jit(kernel)(*tuple(_d.values())))

</pallas_src>

<mosaic_0001>
#map = affine_map<(d0, d1) -> (0, 0)>
#map1 = affine_map<(d0, d1) -> (0)>
module attributes {stable_mosaic.version = 14 : i64} {
  func.func @_sc_gather_body(%arg0: i32, %arg1: i32, %arg2: memref<1024x64xf32, #tpu.memory_space<hbm>>, %arg3: memref<16384xi32, #tpu.memory_space<hbm>>, %arg4: memref<16384x64xf32, #tpu.memory_space<hbm>>, %arg5: memref<512xi32, #tpu.memory_space<vmem>>, %arg6: memref<512x64xf32, #tpu.memory_space<vmem>>, %arg7: memref<!tpu.dma_semaphore, #tpu.memory_space<semaphore_mem>>) attributes {dimension_semantics = [#tpu.dimension_semantics<core_parallel>, #tpu.dimension_semantics<subcore_parallel>], iteration_bounds = array<i64: 2, 16>, scalar_prefetch = 0 : i64, scratch_operands = 3 : i64, tpu.core_type = #tpu.core_type<sc_vector_subcore>, window_params = [{transform_indices = #map}, {transform_indices = #map1}, {transform_indices = #map}]} {
    %mul3A = arith.constant 2 : i32
    %mul3A_0 = arith.muli %arg1, %mul3A : i32
    %add3A = arith.addi %mul3A_0, %arg0 : i32
    %mul3A_1 = arith.constant 512 : i32
    %mul3A_2 = arith.muli %add3A, %mul3A_1 : i32
    "tpu.region"() ({
      %run_scoped3A = tpu.sem_alloc : memref<!tpu.dma_semaphore, #tpu.memory_space<semaphore_mem>>
      %dma_start3A_7 = tpu.memref_slice %arg3[%mul3A_2] : memref<16384xi32, #tpu.memory_space<hbm>> -> memref<512xi32, #tpu.memory_space<hbm>>
      %dma_start3A_8 = tpu.memref_slice %arg3[%mul3A_2] : memref<16384xi32, #tpu.memory_space<hbm>> -> memref<512xi32, #tpu.memory_space<hbm>>
      tpu.enqueue_dma source(%dma_start3A_8 : memref<512xi32, #tpu.memory_space<hbm>>) target(%arg5 : memref<512xi32, #tpu.memory_space<vmem>>) target_semaphore(%run_scoped3A : memref<!tpu.dma_semaphore, #tpu.memory_space<semaphore_mem>>)
      %dma_wait3A_9 = tpu.memref_slice %arg3[%mul3A_2] : memref<16384xi32, #tpu.memory_space<hbm>> -> memref<512xi32, #tpu.memory_space<hbm>>
      %dma_wait3A_10 = tpu.memref_slice %arg3[%mul3A_2] : memref<16384xi32, #tpu.memory_space<hbm>> -> memref<512xi32, #tpu.memory_space<hbm>>
      tpu.wait_dma2 semaphore(%run_scoped3A : memref<!tpu.dma_semaphore, #tpu.memory_space<semaphore_mem>>) src(%dma_wait3A_10 : memref<512xi32, #tpu.memory_space<hbm>>) dst(%arg5 : memref<512xi32, #tpu.memory_space<vmem>>)
      tpu.yield
    }) : () -> ()
    %dma_start3A = arith.constant 0 : i32
    %dma_start3A_3 = arith.constant 0 : i32
    %dma_start3A_4 = tpu.memref_slice %arg2[%dma_start3A, %dma_start3A_3] : memref<1024x64xf32, #tpu.memory_space<hbm>> -> memref<1024x64xf32, #tpu.memory_space<hbm>>
    tpu.enqueue_indirect_dma source(%dma_start3A_4 : memref<1024x64xf32, #tpu.memory_space<hbm>>) target(%arg6 : memref<512x64xf32, #tpu.memory_space<vmem>>) offsets(%arg5 : memref<512xi32, #tpu.memory_space<vmem>>) semaphore(%arg7 : memref<!tpu.dma_semaphore, #tpu.memory_space<semaphore_mem>>)
    %dma_wait3A = arith.constant 0 : i32
    %dma_wait3A_5 = arith.constant 0 : i32
    %dma_wait3A_6 = tpu.memref_slice %arg2[%dma_wait3A, %dma_wait3A_5] : memref<1024x64xf32, #tpu.memory_space<hbm>> -> memref<1024x64xf32, #tpu.memory_space<hbm>>
    tpu.wait_indirect_dma semaphore(%arg7 : memref<!tpu.dma_semaphore, #tpu.memory_space<semaphore_mem>>) src(%dma_wait3A_6 : memref<1024x64xf32, #tpu.memory_space<hbm>>) dst(%arg6 : memref<512x64xf32, #tpu.memory_space<vmem>>)
    "tpu.region"() ({
      %run_scoped3A = tpu.sem_alloc : memref<!tpu.dma_semaphore, #tpu.memory_space<semaphore_mem>>
      %dma_start3A_7 = arith.constant 0 : i32
      %dma_start3A_8 = tpu.memref_slice %arg4[%mul3A_2, %dma_start3A_7] : memref<16384x64xf32, #tpu.memory_space<hbm>> -> memref<512x64xf32, #tpu.memory_space<hbm>>
      %dma_start3A_9 = arith.constant 0 : i32
      %dma_start3A_10 = tpu.memref_slice %arg4[%mul3A_2, %dma_start3A_9] : memref<16384x64xf32, #tpu.memory_space<hbm>> -> memref<512x64xf32, #tpu.memory_space<hbm>>
      tpu.enqueue_dma source(%arg6 : memref<512x64xf32, #tpu.memory_space<vmem>>) target(%dma_start3A_10 : memref<512x64xf32, #tpu.memory_space<hbm>>) target_semaphore(%run_scoped3A : memref<!tpu.dma_semaphore, #tpu.memory_space<semaphore_mem>>)
      %dma_wait3A_11 = arith.constant 0 : i32
      %dma_wait3A_12 = tpu.memref_slice %arg4[%mul3A_2, %dma_wait3A_11] : memref<16384x64xf32, #tpu.memory_space<hbm>> -> memref<512x64xf32, #tpu.memory_space<hbm>>
      %dma_wait3A_13 = arith.constant 0 : i32
      %dma_wait3A_14 = tpu.memref_slice %arg4[%mul3A_2, %dma_wait3A_13] : memref<16384x64xf32, #tpu.memory_space<hbm>> -> memref<512x64xf32, #tpu.memory_space<hbm>>
      tpu.wait_dma2 semaphore(%run_scoped3A : memref<!tpu.dma_semaphore, #tpu.memory_space<semaphore_mem>>) src(%arg6 : memref<512x64xf32, #tpu.memory_space<vmem>>) dst(%dma_wait3A_14 : memref<512x64xf32, #tpu.memory_space<hbm>>)
      tpu.yield
    }) : () -> ()
    return
  }
}

module attributes {stable_mosaic.version = 14 : i64} {
  func.func @_vq_body(%arg0: i32, %arg1: memref<64x2048xf32, #tpu.memory_space<vmem>>, %arg2: memref<64x1024xf32, #tpu.memory_space<vmem>>, %arg3: memref<1024xf32, #tpu.memory_space<vmem>>, %arg4: memref<64x1024xf32, #tpu.memory_space<vmem>>, %arg5: memref<64x1024xf32, #tpu.memory_space<vmem>>, %arg6: memref<2048xi32, #tpu.memory_space<vmem>>, %arg7: memref<1x1xf32, #tpu.memory_space<vmem>>, %arg8: memref<1x1xf32, #tpu.memory_space<vmem>>, %arg9: memref<1x1xf32, #tpu.memory_space<vmem>>, %arg10: memref<1024xf32, #tpu.memory_space<vmem>>, %arg11: memref<64x1024xf32, #tpu.memory_space<vmem>>, %arg12: memref<1024xf32, #tpu.memory_space<vmem>>, %arg13: memref<64x1024xf32, #tpu.memory_space<vmem>>, %arg14: memref<72x1024xf32, #tpu.memory_space<vmem>>, %arg15: memref<1024x64xf32, #tpu.memory_space<vmem>>, %arg16: memref<1xf32, #tpu.memory_space<smem>>) attributes {dimension_semantics = [#tpu.dimension_semantics<arbitrary>], iteration_bounds = array<i64: 8>, scalar_prefetch = 0 : i64, scratch_operands = 3 : i64, tpu.core_type = #tpu.core_type<tc>, window_params = [{transform_indices = @transform_0, window_bounds = array<i64: 64, 2048>}, {pipeline_mode = #tpu.pipeline_mode<synchronous>, transform_indices = @transform_1, window_bounds = array<i64: 64, 1024>}, {pipeline_mode = #tpu.pipeline_mode<synchronous>, transform_indices = @transform_2, window_bounds = array<i64: 1024>}, {pipeline_mode = #tpu.pipeline_mode<synchronous>, transform_indices = @transform_3, window_bounds = array<i64: 64, 1024>}, {pipeline_mode = #tpu.pipeline_mode<synchronous>, transform_indices = @transform_4, window_bounds = array<i64: 64, 1024>}, {transform_indices = @transform_5, window_bounds = array<i64: 2048>}, {pipeline_mode = #tpu.pipeline_mode<synchronous>, transform_indices = @transform_6, window_bounds = array<i64: 1, 1>}, {pipeline_mode = #tpu.pipeline_mode<synchronous>, transform_indices = @transform_7, window_bounds = array<i64: 1, 1>}, {pipeline_mode = #tpu.pipeline_mode<synchronous>, transform_indices = @transform_8, window_bounds = array<i64: 1, 1>}, {pipeline_mode = #tpu.pipeline_mode<synchronous>, transform_indices = @transform_9, window_bounds = array<i64: 1024>}, {pipeline_mode = #tpu.pipeline_mode<synchronous>, transform_indices = @transform_10, window_bounds = array<i64: 64, 1024>}, {pipeline_mode = #tpu.pipeline_mode<synchronous>, transform_indices = @transform_11, window_bounds = array<i64: 1024>}, {pipeline_mode = #tpu.pipeline_mode<synchronous>, transform_indices = @transform_12, window_bounds = array<i64: 64, 1024>}]} {
    %eq3A = arith.constant 0 : i32
    %eq3A_0 = arith.cmpi eq, %arg0, %eq3A : i32
    %convert_element_type3A = arith.extui %eq3A_0 : i1 to i32
    %cond3A = arith.constant 0 : i32
    %cond3A_1 = arith.cmpi ne, %convert_element_type3A, %cond3A : i32
    scf.if %cond3A_1 {
      %broadcast_in_dim3A_52 = arith.constant 0.000000e+00 : f32
      %broadcast_in_dim3A_53 = vector.broadcast %broadcast_in_dim3A_52 : f32 to vector<72x1024xf32>
      %swap3A_54 = arith.constant 0 : index
      %swap3A_55 = arith.constant 0 : index
      %swap3A_56 = vector.load %arg14[%swap3A_54, %swap3A_55] : memref<72x1024xf32, #tpu.memory_space<vmem>>, vector<72x1024xf32>
      tpu.vector_store %arg14[%swap3A_54, %swap3A_55], %broadcast_in_dim3A_53 {strides = array<i32>} : memref<72x1024xf32, #tpu.memory_space<vmem>>, vector<72x1024xf32>,
      %swap3A_57 = arith.constant 0.000000e+00 : f32
      %swap3A_58 = arith.constant 0 : index
      %swap3A_59 = memref.load %arg16[%swap3A_58] : memref<1xf32, #tpu.memory_space<smem>>
      memref.store %swap3A_57, %arg16[%swap3A_58] : memref<1xf32, #tpu.memory_space<smem>>
      %get3A_60 = arith.constant 0 : index
      %get3A_61 = arith.constant 0 : index
      %get3A_62 = vector.load %arg2[%get3A_60, %get3A_61] : memref<64x1024xf32, #tpu.memory_space<vmem>>, vector<64x1024xf32>
      %mul3A_63 = arith.mulf %get3A_62, %get3A_62 : vector<64x1024xf32>
      %reduce_sum3A_64 = arith.constant dense<0.000000e+00> : vector<1024xf32>
      %reduce_sum3A_65 = vector.multi_reduction <add>, %mul3A_63, %reduce_sum3A_64 [0] : vector<64x1024xf32> to vector<1024xf32>
      %broadcast_in_dim3A_66 = vector.shape_cast %reduce_sum3A_65 : vector<1024xf32> to vector<1x1024xf32>
      %sqrt3A_67 = math.sqrt %broadcast_in_dim3A_66 : vector<1x1024xf32>
      %jit3A_68 = arith.constant 9.99999996E-13 : f32
      %max3A_69 = vector.broadcast %jit3A_68 : f32 to vector<1x1024xf32>
      %max3A_70 = arith.maximumf %max3A_69, %sqrt3A_67 : vector<1x1024xf32>
      %div3A_71 = vector.broadcast %max3A_70 : vector<1x1024xf32> to vector<64x1024xf32>
      %div3A_72 = arith.divf %get3A_62, %div3A_71 : vector<64x1024xf32>
      %transpose3A = tpu.transpose %div3A_72, [1, 0] : vector<64x1024xf32> -> vector<1024x64xf32>
      %swap3A_73 = arith.constant 0 : index
      %swap3A_74 = arith.constant 0 : index
      %swap3A_75 = vector.load %arg15[%swap3A_73, %swap3A_74] : memref<1024x64xf32, #tpu.memory_space<vmem>>, vector<1024x64xf32>
      tpu.vector_store %arg15[%swap3A_73, %swap3A_74], %transpose3A {strides = array<i32>} : memref<1024x64xf32, #tpu.memory_space<vmem>>, vector<1024x64xf32>,
    } else {
    }
    %get3A = arith.constant 0 : index
    %get3A_2 = arith.constant 0 : index
    %get3A_3 = vector.load %arg1[%get3A, %get3A_2] : memref<64x2048xf32, #tpu.memory_space<vmem>>, vector<64x2048xf32>
    %mul3A = arith.mulf %get3A_3, %get3A_3 : vector<64x2048xf32>
    %reduce_sum3A = arith.constant dense<0.000000e+00> : vector<2048xf32>
    %reduce_sum3A_4 = vector.multi_reduction <add>, %mul3A, %reduce_sum3A [0] : vector<64x2048xf32> to vector<2048xf32>
    %broadcast_in_dim3A = vector.shape_cast %reduce_sum3A_4 : vector<2048xf32> to vector<1x2048xf32>
    %sqrt3A = math.sqrt %broadcast_in_dim3A : vector<1x2048xf32>
    %jit3A = arith.constant 9.99999996E-13 : f32
    %max3A = vector.broadcast %jit3A : f32 to vector<1x2048xf32>
    %max3A_5 = arith.maximumf %max3A, %sqrt3A : vector<1x2048xf32>
    %div3A = vector.broadcast %max3A_5 : vector<1x2048xf32> to vector<64x2048xf32>
    %div3A_6 = arith.divf %get3A_3, %div3A : vector<64x2048xf32>
    %get3A_7 = arith.constant 0 : index
    %get3A_8 = memref.load %arg16[%get3A_7] : memref<1xf32, #tpu.memory_space<smem>>
    %reduce_sum3A_9 = vector.shape_cast %broadcast_in_dim3A : vector<1x2048xf32> to vector<1x1x2048xf32>
    %reduce_sum3A_10 = arith.constant dense<0.000000e+00> : vector<1xf32>
    %reduce_sum3A_11 = vector.multi_reduction <add>, %reduce_sum3A_9, %reduce_sum3A_10 [1, 2] : vector<1x1x2048xf32> to vector<1xf32>
    %reduce_sum3A_12 = vector.shape_cast %reduce_sum3A_11 : vector<1xf32> to vector<1x1x1xf32>
    %reduce_sum3A_13 = vector.extract %reduce_sum3A_12[0, 0, 0] : f32 from vector<1x1x1xf32>
    %add3A = arith.addf %get3A_8, %reduce_sum3A_13 : f32
    %swap3A = arith.constant 0 : index
    %swap3A_14 = memref.load %arg16[%swap3A] : memref<1xf32, #tpu.memory_space<smem>>
    memref.store %add3A, %arg16[%swap3A] : memref<1xf32, #tpu.memory_space<smem>>
    %get3A_15 = arith.constant 0 : index
    %get3A_16 = arith.constant 0 : index
    %get3A_17 = vector.load %arg15[%get3A_15, %get3A_16] : memref<1024x64xf32, #tpu.memory_space<vmem>>, vector<1024x64xf32>
    %dot_general3A = arith.constant dense<0.000000e+00> : vector<1024x2048xf32>
    %dot_general3A_18 = tpu.matmul %get3A_17, %div3A_6, %dot_general3A {dimension_numbers = #tpu.dot_dimension_numbers<[1], [0], [0], [1], [0, 0, 1, 1], [], []>, transpose_lhs_hint = false} : vector<1024x64xf32>, vector<64x2048xf32>, vector<1024x2048xf32> -> vector<1024x2048xf32>
    %sub3A = arith.constant 1.000000e+00 : f32
    %sub3A_19 = vector.broadcast %sub3A : f32 to vector<1024x2048xf32>
    %sub3A_20 = arith.subf %sub3A_19, %dot_general3A_18 : vector<1024x2048xf32>
    %reduce_min3A = arith.constant dense<0x7F800000> : vector<2048xf32>
    %reduce_min3A_21 = vector.multi_reduction <minimumf>, %sub3A_20, %reduce_min3A [0] : vector<1024x2048xf32> to vector<2048xf32>
    %broadcast_in_dim3A_22 = vector.shape_cast %reduce_min3A_21 : vector<2048xf32> to vector<1x2048xf32>
    %iota3A = tpu.iota {dimensions = array<i32: 0>} : vector<1024x2048xi32>
    %eq3A_23 = vector.broadcast %broadcast_in_dim3A_22 : vector<1x2048xf32> to vector<1024x2048xf32>
    %eq3A_24 = arith.cmpf oeq, %sub3A_20, %eq3A_23 : vector<1024x2048xf32>
    %jit3A_25 = arith.constant 1024 : i32
    %broadcast_in_dim3A_26 = vector.broadcast %jit3A_25 : i32 to vector<1024x2048xi32>
    %select_n3A = arith.select %eq3A_24, %iota3A, %broadcast_in_dim3A_26 : vector<1024x2048xi1>, vector<1024x2048xi32>
    %reduce_min3A_27 = arith.constant dense<2147483647> : vector<2048xi32>
    %reduce_min3A_28 = vector.multi_reduction <minsi>, %select_n3A, %reduce_min3A_27 [0] : vector<1024x2048xi32> to vector<2048xi32>
    %broadcast_in_dim3A_29 = vector.shape_cast %reduce_min3A_28 : vector<2048xi32> to vector<1x2048xi32>
    %eq3A_30 = vector.broadcast %broadcast_in_dim3A_29 : vector<1x2048xi32> to vector<1024x2048xi32>
    %eq3A_31 = arith.cmpi eq, %iota3A, %eq3A_30 : vector<1024x2048xi32>
    %convert_element_type3A_32 = arith.extui %eq3A_31 : vector<1024x2048xi1> to vector<1024x2048xi32>
    %convert_element_type3A_33 = arith.sitofp %convert_element_type3A_32 : vector<1024x2048xi32> to vector<1024x2048xf32>
    %swap3A_34 = arith.constant 0 : index
    %swap3A_35 = vector.load %arg6[%swap3A_34] : memref<2048xi32, #tpu.memory_space<vmem>>, vector<2048xi32>
    tpu.vector_store %arg6[%swap3A_34], %reduce_min3A_28 {strides = array<i32>} : memref<2048xi32, #tpu.memory_space<vmem>>, vector<2048xi32>,
    %broadcast_in_dim3A_36 = arith.constant 1.000000e+00 : f32
    %broadcast_in_dim3A_37 = vector.broadcast %broadcast_in_dim3A_36 : f32 to vector<8x2048xf32>
    %concatenate3A = tpu.concatenate %get3A_3, %broadcast_in_dim3A_37 in 0 : vector<64x2048xf32>, vector<8x2048xf32> -> vector<72x2048xf32>
    %get3A_38 = arith.constant 0 : index
    %get3A_39 = arith.constant 0 : index
    %get3A_40 = vector.load %arg14[%get3A_38, %get3A_39] : memref<72x1024xf32, #tpu.memory_space<vmem>>, vector<72x1024xf32>
    %dot_general3A_41 = arith.constant dense<0.000000e+00> : vector<72x1024xf32>
    %dot_general3A_42 = tpu.matmul %concatenate3A, %convert_element_type3A_33, %dot_general3A_41 {dimension_numbers = #tpu.dot_dimension_numbers<[1], [1], [0], [0], [0, 0, 1, 0], [], []>, transpose_lhs_hint = false} : vector<72x2048xf32>, vector<1024x2048xf32>, vector<72x1024xf32> -> vector<72x1024xf32>
    %add3A_43 = arith.addf %get3A_40, %dot_general3A_42 : vector<72x1024xf32>
    %swap3A_44 = arith.constant 0 : index
    %swap3A_45 = arith.constant 0 : index
    %swap3A_46 = vector.load %arg14[%swap3A_44, %swap3A_45] : memref<72x1024xf32, #tpu.memory_space<vmem>>, vector<72x1024xf32>
    tpu.vector_store %arg14[%swap3A_44, %swap3A_45], %add3A_43 {strides = array<i32>} : memref<72x1024xf32, #tpu.memory_space<vmem>>, vector<72x1024xf32>,
    %eq3A_47 = arith.constant 7 : i32
    %eq3A_48 = arith.cmpi eq, %arg0, %eq3A_47 : i32
    %convert_element_type3A_49 = arith.extui %eq3A_48 : i1 to i32
    %cond3A_50 = arith.constant 0 : i32
    %cond3A_51 = arith.cmpi ne, %convert_element_type3A_49, %cond3A_50 : i32
    scf.if %cond3A_51 {
      %get3A_52 = arith.constant 64 : index
      %get3A_53 = arith.constant 0 : index
      %get3A_54 = vector.load %arg14[%get3A_52, %get3A_53] : memref<72x1024xf32, #tpu.memory_space<vmem>>, vector<1x1024xf32>
      %reduce_sum3A_55 = vector.shape_cast %get3A_54 : vector<1x1024xf32> to vector<1x1x1024xf32>
      %reduce_sum3A_56 = arith.constant dense<0.000000e+00> : vector<1xf32>
      %reduce_sum3A_57 = vector.multi_reduction <add>, %reduce_sum3A_55, %reduce_sum3A_56 [1, 2] : vector<1x1x1024xf32> to vector<1xf32>
      %reduce_sum3A_58 = vector.shape_cast %reduce_sum3A_57 : vector<1xf32> to vector<1x1x1xf32>
      %reduce_sum3A_59 = vector.extract %reduce_sum3A_58[0, 0, 0] : f32 from vector<1x1x1xf32>
      %add3A_60 = arith.constant 9.99999997E-7 : f32
      %add3A_61 = arith.addf %reduce_sum3A_59, %add3A_60 : f32
      %div3A_62 = vector.broadcast %add3A_61 : f32 to vector<1x1024xf32>
      %div3A_63 = arith.divf %get3A_54, %div3A_62 : vector<1x1024xf32>
      %add3A_64 = arith.constant 9.99999996E-13 : f32
      %add3A_65 = vector.broadcast %add3A_64 : f32 to vector<1x1024xf32>
      %add3A_66 = arith.addf %div3A_63, %add3A_65 : vector<1x1024xf32>
      %log3A = math.log %add3A_66 : vector<1x1024xf32>
      %mul3A_67 = arith.mulf %div3A_63, %log3A : vector<1x1024xf32>
      %reduce_sum3A_68 = vector.shape_cast %mul3A_67 : vector<1x1024xf32> to vector<1x1x1024xf32>
      %reduce_sum3A_69 = arith.constant dense<0.000000e+00> : vector<1xf32>
      %reduce_sum3A_70 = vector.multi_reduction <add>, %reduce_sum3A_68, %reduce_sum3A_69 [1, 2] : vector<1x1x1024xf32> to vector<1xf32>
      %reduce_sum3A_71 = vector.shape_cast %reduce_sum3A_70 : vector<1xf32> to vector<1x1x1xf32>
      %reduce_sum3A_72 = vector.extract %reduce_sum3A_71[0, 0, 0] : f32 from vector<1x1x1xf32>
      %neg3A = arith.constant 0.000000e+00 : f32
      %neg3A_73 = arith.subf %neg3A, %reduce_sum3A_72 : f32
      %add3A_74 = arith.constant 1.024000e+03 : f32
      %add3A_75 = arith.constant 9.99999996E-13 : f32
      %add3A_76 = arith.addf %add3A_74, %add3A_75 : f32
      %log3A_77 = math.log %add3A_76 : f32
      %get3A_78 = arith.constant 0 : index
      %get3A_79 = arith.constant 0 : index
      %get3A_80 = vector.load %arg2[%get3A_78, %get3A_79] : memref<64x1024xf32, #tpu.memory_space<vmem>>, vector<64x1024xf32>
      %get3A_81 = arith.constant 0 : index
      %get3A_82 = arith.constant 0 : index
      %get3A_83 = vector.load %arg14[%get3A_81, %get3A_82] : memref<72x1024xf32, #tpu.memory_space<vmem>>, vector<64x1024xf32>
      %mul3A_84 = arith.mulf %get3A_80, %get3A_83 : vector<64x1024xf32>
      %reduce_sum3A_85 = vector.shape_cast %mul3A_84 : vector<64x1024xf32> to vector<1x64x1024xf32>
      %reduce_sum3A_86 = arith.constant dense<0.000000e+00> : vector<1xf32>
      %reduce_sum3A_87 = vector.multi_reduction <add>, %reduce_sum3A_85, %reduce_sum3A_86 [1, 2] : vector<1x64x1024xf32> to vector<1xf32>
      %reduce_sum3A_88 = vector.shape_cast %reduce_sum3A_87 : vector<1xf32> to vector<1x1x1xf32>
      %reduce_sum3A_89 = vector.extract %reduce_sum3A_88[0, 0, 0] : f32 from vector<1x1x1xf32>
      %mul3A_90 = arith.mulf %get3A_80, %get3A_80 : vector<64x1024xf32>
      %reduce_sum3A_91 = arith.constant dense<0.000000e+00> : vector<1024xf32>
      %reduce_sum3A_92 = vector.multi_reduction <add>, %mul3A_90, %reduce_sum3A_91 [0] : vector<64x1024xf32> to vector<1024xf32>
      %broadcast_in_dim3A_93 = vector.shape_cast %reduce_sum3A_92 : vector<1024xf32> to vector<1x1024xf32>
      %mul3A_94 = arith.mulf %broadcast_in_dim3A_93, %get3A_54 : vector<1x1024xf32>
      %reduce_sum3A_95 = vector.shape_cast %mul3A_94 : vector<1x1024xf32> to vector<1x1x1024xf32>
      %reduce_sum3A_96 = arith.constant dense<0.000000e+00> : vector<1xf32>
      %reduce_sum3A_97 = vector.multi_reduction <add>, %reduce_sum3A_95, %reduce_sum3A_96 [1, 2] : vector<1x1x1024xf32> to vector<1xf32>
      %reduce_sum3A_98 = vector.shape_cast %reduce_sum3A_97 : vector<1xf32> to vector<1x1x1xf32>
      %reduce_sum3A_99 = vector.extract %reduce_sum3A_98[0, 0, 0] : f32 from vector<1x1x1xf32>
      %get3A_100 = arith.constant 0 : index
      %get3A_101 = memref.load %arg16[%get3A_100] : memref<1xf32, #tpu.memory_space<smem>>
      %mul3A_102 = arith.constant 2.000000e+00 : f32
      %mul3A_103 = arith.mulf %mul3A_102, %reduce_sum3A_89 : f32
      %sub3A_104 = arith.subf %get3A_101, %mul3A_103 : f32
      %add3A_105 = arith.addf %sub3A_104, %reduce_sum3A_99 : f32
      %mul3A_106 = arith.constant 2.500000e-01 : f32
      %mul3A_107 = arith.mulf %mul3A_106, %add3A_105 : f32
      %div3A_108 = arith.constant 0x49800000 : f32
      %div3A_109 = arith.divf %mul3A_107, %div3A_108 : f32
      %sub3A_110 = arith.subf %log3A_77, %neg3A_73 : f32
      %mul3A_111 = arith.constant 5.000000e-03 : f32
      %mul3A_112 = arith.mulf %mul3A_111, %sub3A_110 : f32
      %add3A_113 = arith.addf %div3A_109, %mul3A_112 : f32
      %broadcast_in_dim3A_114 = vector.broadcast %add3A_113 : f32 to vector<1x1xf32>
      %swap3A_115 = arith.constant 0 : index
      %swap3A_116 = arith.constant 0 : index
      %swap3A_117 = vector.load %arg7[%swap3A_115, %swap3A_116] : memref<1x1xf32, #tpu.memory_space<vmem>>, vector<1x1xf32>
      tpu.vector_store %arg7[%swap3A_115, %swap3A_116], %broadcast_in_dim3A_114 {strides = array<i32>} : memref<1x1xf32, #tpu.memory_space<vmem>>, vector<1x1xf32>,
      %broadcast_in_dim3A_118 = vector.broadcast %neg3A_73 : f32 to vector<1x1xf32>
      %swap3A_119 = arith.constant 0 : index
      %swap3A_120 = arith.constant 0 : index
      %swap3A_121 = vector.load %arg8[%swap3A_119, %swap3A_120] : memref<1x1xf32, #tpu.memory_space<vmem>>, vector<1x1xf32>
      tpu.vector_store %arg8[%swap3A_119, %swap3A_120], %broadcast_in_dim3A_118 {strides = array<i32>} : memref<1x1xf32, #tpu.memory_space<vmem>>, vector<1x1xf32>,
      %exp3A = math.exp %neg3A_73 : f32
      %broadcast_in_dim3A_122 = vector.broadcast %exp3A : f32 to vector<1x1xf32>
      %swap3A_123 = arith.constant 0 : index
      %swap3A_124 = arith.constant 0 : index
      %swap3A_125 = vector.load %arg9[%swap3A_123, %swap3A_124] : memref<1x1xf32, #tpu.memory_space<vmem>>, vector<1x1xf32>
      tpu.vector_store %arg9[%swap3A_123, %swap3A_124], %broadcast_in_dim3A_122 {strides = array<i32>} : memref<1x1xf32, #tpu.memory_space<vmem>>, vector<1x1xf32>,
      %reshape3A = vector.shape_cast %get3A_54 : vector<1x1024xf32> to vector<1024xf32>
      %swap3A_126 = arith.constant 0 : index
      %swap3A_127 = vector.load %arg10[%swap3A_126] : memref<1024xf32, #tpu.memory_space<vmem>>, vector<1024xf32>
      tpu.vector_store %arg10[%swap3A_126], %reshape3A {strides = array<i32>} : memref<1024xf32, #tpu.memory_space<vmem>>, vector<1024xf32>,
      %get3A_128 = arith.constant 0 : index
      %get3A_129 = vector.load %arg3[%get3A_128] : memref<1024xf32, #tpu.memory_space<vmem>>, vector<1024xf32>
      %reshape3A_130 = vector.shape_cast %get3A_129 : vector<1024xf32> to vector<1x1024xf32>
      %mul3A_131 = arith.constant 9.900000e-01 : f32
      %mul3A_132 = vector.broadcast %mul3A_131 : f32 to vector<1x1024xf32>
      %mul3A_133 = arith.mulf %reshape3A_130, %mul3A_132 : vector<1x1024xf32>
      %mul3A_134 = arith.constant 0.00999999977 : f32
      %mul3A_135 = vector.broadcast %mul3A_134 : f32 to vector<1x1024xf32>
      %mul3A_136 = arith.mulf %get3A_54, %mul3A_135 : vector<1x1024xf32>
      %add3A_137 = arith.addf %mul3A_133, %mul3A_136 : vector<1x1024xf32>
      %get3A_138 = arith.constant 0 : index
      %get3A_139 = arith.constant 0 : index
      %get3A_140 = vector.load %arg4[%get3A_138, %get3A_139] : memref<64x1024xf32, #tpu.memory_space<vmem>>, vector<64x1024xf32>
      %mul3A_141 = arith.constant 9.900000e-01 : f32
      %mul3A_142 = vector.broadcast %mul3A_141 : f32 to vector<64x1024xf32>
      %mul3A_143 = arith.mulf %get3A_140, %mul3A_142 : vector<64x1024xf32>
      %get3A_144 = arith.constant 0 : index
      %get3A_145 = arith.constant 0 : index
      %get3A_146 = vector.load %arg14[%get3A_144, %get3A_145] : memref<72x1024xf32, #tpu.memory_space<vmem>>, vector<64x1024xf32>
      %mul3A_147 = arith.constant 0.00999999977 : f32
      %mul3A_148 = vector.broadcast %mul3A_147 : f32 to vector<64x1024xf32>
      %mul3A_149 = arith.mulf %get3A_146, %mul3A_148 : vector<64x1024xf32>
      %add3A_150 = arith.addf %mul3A_143, %mul3A_149 : vector<64x1024xf32>
      %add3A_151 = arith.constant 9.99999974E-6 : f32
      %add3A_152 = vector.broadcast %add3A_151 : f32 to vector<1x1024xf32>
      %add3A_153 = arith.addf %add3A_137, %add3A_152 : vector<1x1024xf32>
      %div3A_154 = vector.broadcast %add3A_153 : vector<1x1024xf32> to vector<64x1024xf32>
      %div3A_155 = arith.divf %add3A_150, %div3A_154 : vector<64x1024xf32>
      %lt3A = arith.constant 1.000000e-03 : f32
      %lt3A_156 = vector.broadcast %lt3A : f32 to vector<1x1024xf32>
      %lt3A_157 = arith.cmpf olt, %add3A_137, %lt3A_156 : vector<1x1024xf32>
      %get3A_158 = arith.constant 0 : index
      %get3A_159 = arith.constant 0 : index
      %get3A_160 = vector.load %arg5[%get3A_158, %get3A_159] : memref<64x1024xf32, #tpu.memory_space<vmem>>, vector<64x1024xf32>
      %broadcast_in_dim3A_161 = vector.shape_cast %lt3A_157 : vector<1x1024xi1> to vector<1x1024xi1>
      %broadcast_in_dim3A_162 = vector.broadcast %broadcast_in_dim3A_161 : vector<1x1024xi1> to vector<64x1024xi1>
      %select_n3A_163 = arith.select %broadcast_in_dim3A_162, %get3A_160, %div3A_155 : vector<64x1024xi1>, vector<64x1024xf32>
      %swap3A_164 = arith.constant 0 : index
      %swap3A_165 = arith.constant 0 : index
      %swap3A_166 = vector.load %arg11[%swap3A_164, %swap3A_165] : memref<64x1024xf32, #tpu.memory_space<vmem>>, vector<64x1024xf32>
      tpu.vector_store %arg11[%swap3A_164, %swap3A_165], %select_n3A_163 {strides = array<i32>} : memref<64x1024xf32, #tpu.memory_space<vmem>>, vector<64x1024xf32>,
      %broadcast_in_dim3A_167 = vector.shape_cast %lt3A_157 : vector<1x1024xi1> to vector<1x1024xi1>
      %broadcast_in_dim3A_168 = vector.broadcast %broadcast_in_dim3A_167 : vector<1x1024xi1> to vector<64x1024xi1>
      %select_n3A_169 = arith.select %broadcast_in_dim3A_168, %get3A_160, %add3A_150 : vector<64x1024xi1>, vector<64x1024xf32>
      %swap3A_170 = arith.constant 0 : index
      %swap3A_171 = arith.constant 0 : index
      %swap3A_172 = vector.load %arg13[%swap3A_170, %swap3A_171] : memref<64x1024xf32, #tpu.memory_space<vmem>>, vector<64x1024xf32>
      tpu.vector_store %arg13[%swap3A_170, %swap3A_171], %select_n3A_169 {strides = array<i32>} : memref<64x1024xf32, #tpu.memory_space<vmem>>, vector<64x1024xf32>,
      %jit3A_173 = arith.constant 1.000000e+00 : f32
      %broadcast_in_dim3A_174 = vector.broadcast %jit3A_173 : f32 to vector<1x1024xf32>
      %select_n3A_175 = arith.select %lt3A_157, %broadcast_in_dim3A_174, %add3A_137 : vector<1x1024xi1>, vector<1x1024xf32>
      %reshape3A_176 = vector.shape_cast %select_n3A_175 : vector<1x1024xf32> to vector<1024xf32>
      %swap3A_177 = arith.constant 0 : index
      %swap3A_178 = vector.load %arg12[%swap3A_177] : memref<1024xf32, #tpu.memory_space<vmem>>, vector<1024xf32>
      tpu.vector_store %arg12[%swap3A_177], %reshape3A_176 {strides = array<i32>} : memref<1024xf32, #tpu.memory_space<vmem>>, vector<1024xf32>,
    } else {
    }
    return
  }
  func.func @transform_0(%arg0: i32) -> (i32, i32) {
    %c0_i32 = arith.constant 0 : i32
    %c0_i32_0 = arith.constant 0 : i32
    return %c0_i32, %arg0 : i32, i32
  }
  func.func @transform_1(%arg0: i32) -> (i32, i32) {
    %c0_i32 = arith.constant 0 : i32
    %c0_i32_0 = arith.constant 0 : i32
    %c0_i32_1 = arith.constant 0 : i32
    return %c0_i32, %c0_i32_0 : i32, i32
  }
  func.func @transform_2(%arg0: i32) -> i32 {
    %c0_i32 = arith.constant 0 : i32
    %c0_i32_0 = arith.constant 0 : i32
    return %c0_i32 : i32
  }
  func.func @transform_3(%arg0: i32) -> (i32, i32) {
    %c0_i32 = arith.constant 0 : i32
    %c0_i32_0 = arith.constant 0 : i32
    %c0_i32_1 = arith.constant 0 : i32
    return %c0_i32, %c0_i32_0 : i32, i32
  }
  func.func @transform_4(%arg0: i32) -> (i32, i32) {
    %c0_i32 = arith.constant 0 : i32
    %c0_i32_0 = arith.constant 0 : i32
    %c0_i32_1 = arith.constant 0 : i32
    return %c0_i32, %c0_i32_0 : i32, i32
  }
  func.func @transform_5(%arg0: i32) -> i32 {
    %c0_i32 = arith.constant 0 : i32
    return %arg0 : i32
  }
  func.func @transform_6(%arg0: i32) -> (i32, i32) {
    %c0_i32 = arith.constant 0 : i32
    %c0_i32_0 = arith.constant 0 : i32
    %c0_i32_1 = arith.constant 0 : i32
    return %c0_i32, %c0_i32_0 : i32, i32
  }
  func.func @transform_7(%arg0: i32) -> (i32, i32) {
    %c0_i32 = arith.constant 0 : i32
    %c0_i32_0 = arith.constant 0 : i32
    %c0_i32_1 = arith.constant 0 : i32
    return %c0_i32, %c0_i32_0 : i32, i32
  }
  func.func @transform_8(%arg0: i32) -> (i32, i32) {
    %c0_i32 = arith.constant 0 : i32
    %c0_i32_0 = arith.constant 0 : i32
    %c0_i32_1 = arith.constant 0 : i32
    return %c0_i32, %c0_i32_0 : i32, i32
  }
  func.func @transform_9(%arg0: i32) -> i32 {
    %c0_i32 = arith.constant 0 : i32
    %c0_i32_0 = arith.constant 0 : i32
    return %c0_i32 : i32
  }
  func.func @transform_10(%arg0: i32) -> (i32, i32) {
    %c0_i32 = arith.constant 0 : i32
    %c0_i32_0 = arith.constant 0 : i32
    %c0_i32_1 = arith.constant 0 : i32
    return %c0_i32, %c0_i32_0 : i32, i32
  }
  func.func @transform_11(%arg0: i32) -> i32 {
    %c0_i32 = arith.constant 0 : i32
    %c0_i32_0 = arith.constant 0 : i32
    return %c0_i32 : i32
  }
  func.func @transform_12(%arg0: i32) -> (i32, i32) {
    %c0_i32 = arith.constant 0 : i32
    %c0_i32_0 = arith.constant 0 : i32
    %c0_i32_1 = arith.constant 0 : i32
    return %c0_i32, %c0_i32_0 : i32, i32
  }
}

</mosaic_0001>

<sc_bundles>
// kernel: kernel.4.cloned.1.call-start
scs
__scs_entry_jumppad:
0x0: {  	(pc) =	sbr.rel $0x88, $3  }
0x1: {  	(tag) =	ssettag $0x0;
	lr =	simm.s32 $0x1  }
0x2: {  	[smem:$0x3F9D] =	sst lr;
	_ =	strace $0xD0000000  }
0x3: {  	_ = 	snop  }
0x4: {  	_ = 	snop  }
0x5: {  	_ = 	snop  }
0x6: {  	_ = 	snop  }
0x7: {  	_ = 	snop  }
__scs_overlays_trampoline_lowered:
0x8: {  	[smem:$0x3FAC] =	sst s0  }
0x9: {  	[smem:$0x3FAD] =	sst s1  }
0xa: {  	[smem:$0x3FAE] =	sst s2  }
0xb: {  	[smem:$0x3FAF] =	sst s3  }
0xc: {  	[smem:$0x3FB0] =	sst s4  }
0xd: {  	[smem:$0x3FB1] =	sst s5  }
0xe: {  	[smem:$0x3FB2] =	sst s6  }
0xf: {  	[smem:$0x3FB3] =	sst s7  }
0x10: {  	[smem:$0x3FB4] =	sst s8  }
0x11: {  	[smem:$0x3FB5] =	sst s9;
	s0 =	simm.s32 @!p0 $0x0  }
0x12: {  	s1 =	sld [smem:$0x3F9B];
	s0 =	simm.s32 @p0 $0x1  }
0x13: {  	[smem:$0x3FB6] =	sst s0;
	s0 =	simm.s32 @!p1 $0x0  }
0x14: {  	s2 =	sld [smem:$0x3F9A];
	s0 =	simm.s32 @p1 $0x1  }
0x15: {  	[smem:$0x3FB7] =	sst s0;
	s0 =	simm.s32 @!p2 $0x0  }
0x16: {  	s3 =	sld [smem:$0x3FDB];
	s0 =	simm.s32 @p2 $0x1  }
0x17: {  	s4 =	simm.s32 $0x1BF5;
	[smem:$0x3FB9] =	sst s0  }
0x18: {  	s0 =	sld [smem:$0x3F9C];
	_ =	swait.ge [sflag:s4], $0x0  }
0x19: {  	s7 =	sld [smem:$0x3F9D]  }
0x1a: {  	s8 =	sadd.s32 $0xFFFFE003, lr  }
0x1b: {  	s9 =	sadd.s32 $0xFFFFFEF7, lr;
	s5 =	simm.s32 $0xFFFFFFFF;
	p2 =	slt.u32 s8, $0xFFFFF086  }
0x1c: {  	p1 =	slt.u32 s9, $0xF7A;
	s5 =	simm.s32 @!p2 $0x0  }
0x1d: {  	s5 =	simm.s32 @p1 $0x1;
	p0 =	seq.s32 s7, s2  }
0x1e: {  	s7 =	smul.u32 @!p0 $0xF7A, s2;
	p2 =	seq.s32 @!p0 s5, $0x0  }
0x1f: {  	s9 =	smul.u32 $0xF7A, s1;
	s8 =	simm.s32 @!p0 $0x1BF5;
	p2 =	por !p2, p0  }
0x20: {  	[sflag:s8] =	ssyncset.s32 @!p0 $0xFFFFF086;
	s6 =	sadd.s32 @!p0 s3, s7;
	s7 =	simm.s32 @!p0 $0x108  }
0x21: {  	s3 =	sadd.s32 s3, s9;
	s6 =	sadd.s32 @!p0 $0x88, s6;
	s7 =	simm.s32 @p2 $0x1082  }
0x22: {  	[simem:s7], [sflag:s8] =	dma.local @!p0 [hbm:s6], $0xF7A  }
0x23: {  	s9 =	sor.u32 $0xD0000000, s2;
	s6 =	simm.s32 $0x108;
	_ =	swait.ge @!p0 [sflag:s8], $0x0  }
0x24: {  	s3 =	sadd.s32 $0x88, s3;
	s6 =	simm.s32 @!p1 $0x1082;
	[sflag:s4] =	ssyncset.s32 $0xFFFFF086  }
0x25: {  	[simem:s6], [sflag:s4] =	dma.local [hbm:s3], $0xF7A  }
0x26: {  	[smem:$0x3F9D] =	sst s1;
	(tag) =	ssettag s2;
	_ =	strace s9  }
0x27: {  	s1 =	sld [smem:$0x3FAD]  }
0x28: {  	s2 =	sld [smem:$0x3FAE]  }
0x29: {  	s4 =	sld [smem:$0x3FB0]  }
0x2a: {  	p0 =	seq.s32 s5, $0x0;
	s5 =	sld [smem:$0x3FB1]  }
0x2b: {  	s6 =	sld [smem:$0x3FB2]  }
0x2c: {  	s7 =	sld [smem:$0x3FB3]  }
0x2d: {  	s3 =	simm.s32 $0x108;
	s8 =	sld [smem:$0x3FB4]  }
0x2e: {  	s3 =	simm.s32 @!p0 $0x1082;
	s9 =	sld [smem:$0x3FB5]  }
0x2f: {  	lr =	sadd.s32 s0, s3;
	s0 =	sld [smem:$0x3FAC]  }
0x30: {  	s3 =	sld [smem:$0x3FAF]  }
0x31: {  	[smem:$0x3FB8] =	sst s10  }
0x32: {  	s10 =	sld [smem:$0x3FB6];
	_ =	sdelay $0x3  }
0x33: {  	p0 =	seq.s32 s10, $0x1;
	s10 =	sld [smem:$0x3FB8];
	_ =	sdelay $0x3  }
0x34: {  	[smem:$0x3FB8] =	sst s10  }
0x35: {  	s10 =	sld [smem:$0x3FB7];
	_ =	sdelay $0x3  }
0x36: {  	p1 =	seq.s32 s10, $0x1;
	s10 =	sld [smem:$0x3FB8];
	_ =	sdelay $0x3  }
0x37: {  	[smem:$0x3FB8] =	sst s10  }
0x38: {  	s10 =	sld [smem:$0x3FB9]  }
0x39: {  	_ = 	snop;
	(pc) =	sbr.ind lr, $3  }
0x3a: {  	_ = 	snop  }
0x3b: {  	_ = 	snop  }
0x3c: {  	p2 =	seq.s32 s10, $0x1;
	s10 =	sld [smem:$0x3FB8]  }
0x3d: {  	_ =	shalt  }
0x3e: {  	_ =	shalt  }
0x3f: {  	_ =	shalt  }
0x40: {  	_ =	shalt  }
0x41: {  	_ =	shalt  }
0x42: {  	_ =	shalt  }
0x43: {  	_ =	shalt  }
0x44: {  	_ =	shalt  }
0x45: {  	_ =	shalt  }
0x46: {  	_ =	shalt  }
0x47: {  	_ =	shalt  }
0x48: {  	_ =	shalt  }
0x49: {  	_ =	shalt  }
0x4a: {  	_ =	shalt  }
0x4b: {  	_ =	shalt  }
0x4c: {  	_ =	shalt  }
0x4d: {  	_ =	shalt  }
0x4e: {  	_ =	shalt  }
0x4f: {  	_ =	shalt  }
0x50: {  	_ =	shalt  }
0x51: {  	_ =	shalt  }
0x52: {  	_ =	shalt  }
0x53: {  	_ =	shalt  }
0x54: {  	_ =	shalt  }
0x55: {  	_ =	shalt  }
0x56: {  	_ =	shalt  }
0x57: {  	_ =	shalt  }
0x58: {  	_ =	shalt  }
0x59: {  	_ =	shalt  }
0x5a: {  	_ =	shalt  }
0x5b: {  	_ =	shalt  }
0x5c: {  	_ =	shalt  }
0x5d: {  	_ =	shalt  }
0x5e: {  	_ =	shalt  }
0x5f: {  	_ =	shalt  }
0x60: {  	_ =	shalt  }
0x61: {  	_ =	shalt  }
0x62: {  	_ =	shalt  }
0x63: {  	_ =	shalt  }
0x64: {  	_ =	shalt  }
0x65: {  	_ =	shalt  }
0x66: {  	_ =	shalt  }
0x67: {  	_ =	shalt  }
0x68: {  	_ =	shalt  }
0x69: {  	_ =	shalt  }
0x6a: {  	_ =	shalt  }
0x6b: {  	_ =	shalt  }
0x6c: {  	_ =	shalt  }
0x6d: {  	_ =	shalt  }
0x6e: {  	_ =	shalt  }
0x6f: {  	_ =	shalt  }
0x70: {  	_ =	shalt  }
0x71: {  	_ =	shalt  }
0x72: {  	_ =	shalt  }
0x73: {  	_ =	shalt  }
0x74: {  	_ =	shalt  }
0x75: {  	_ =	shalt  }
0x76: {  	_ =	shalt  }
0x77: {  	_ =	shalt  }
0x78: {  	_ =	shalt  }
0x79: {  	_ =	shalt  }
0x7a: {  	_ =	shalt  }
0x7b: {  	_ =	shalt  }
0x7c: {  	_ =	shalt  }
0x7d: {  	_ =	shalt  }
0x7e: {  	_ =	shalt  }
0x7f: {  	_ =	shalt  }
0x80: {  	_ =	shalt  }
0x81: {  	_ =	shalt  }
0x82: {  	_ =	shalt  }
0x83: {  	_ =	shalt  }
0x84: {  	_ =	shalt  }
0x85: {  	_ =	shalt  }
0x86: {  	_ =	shalt  }
0x87: {  	_ =	shalt  }
.Lfunc_end0:
.L_simem_size_0:
called_computation_lowered:
.L_overlay_start_0:
0x88: {  	s2 =	sld [smem:$0x3FD9]  }
0x89: {  	s3 =	sld [smem:$0x3FFE];
	_ =	sdelay $0x1  }
0x8a: {  	s1 =	srdreg.scid  }
0x8b: {  	s0 =	sand.u32 $0x1, s1  }
0x8c: {  	s14 =	sshll.u32 s0, $0xA;
	s2 =	sadd.s32 s3, s2  }
0x8d: {  	s2 =	sadd.s32 s2, s14  }
0x8e: {  	[smem:$0x3FC4] =	sst s2  }
0x8f: {  	_ = 	snop  }
0x90: {  	s2 =	sld [smem:$0x3FD0];
	_ =	sdelay $0x2  }
0x91: {  	s15 =	simm.s32 $0xA;
	s4 =	simm.s32 $0x10  }
0x92: {  	[smem:s4], [sflag:s15] =	dma.local [hbm:s2], $0x1  }
0x93: {  	_ =	swait.eq [sflag:s15], $0x1  }
0x94: {  	[sflag:s15] =	ssyncset.done $0x0  }
0x95: {  	s16 =	sld [smem:$0x10];
	[sflag:s15] =	ssyncadd.s32 $0xFFFFFFFF  }
0x96: {  	s17 =	sld [smem:$0x11];
	(tm) =	ssettm $0x1  }
0x97: {  	s18 =	sld [smem:$0x3FFB];
	_ =	sdelay $0x3  }
0x98: {  	_ =	strace s18  }
0x99: {  	s4 =	sld [smem:$0x3FFC];
	_ =	sdelay $0x3  }
0x9a: {  	_ =	strace s4  }
0x9b: {  	s4 =	sld [smem:$0x3FFD];
	_ =	sdelay $0x3  }
0x9c: {  	_ =	strace s4  }
0x9d: {  	_ =	strace $0x8FFFFFFF  }
0x9e: {  	s19 =	sld [smem:$0x3FDB];
	_ =	sdelay $0x1  }
0x9f: {  	s5 =	simm.s32 $_scs_section_size  }
0xa0: {  	s6 =	simm.s32 $_size__tile_overlayer_lowered;
	s7 =	simm.s32 $_tile_overlayer_lowered  }
0xa1: {  	s22 =	simm.s32 $0x1BFF;
	s21 =	sshll.u32 s7, $0x1;
	s4 =	sadd.s32 s5, s19  }
0xa2: {  	s8 =	simm.s32 $0x0;
	s20 =	sshll.u32 s6, $0x1;
	s6 =	sadd.s32 s21, s4  }
0xa3: {  	[timem:s8], [sflag:s22] =	dma.local [hbm:s6], s20  }
0xa4: {  	_ =	swait.ge [sflag:s22], s20  }
0xa5: {  	s5 =	ssub.s32 $0x0, s20;
	[sflag:s22] =	ssyncset.done $0x0  }
0xa6: {  	[sflag:s22] =	ssyncadd.s32 s5;
	_ =	sdelay $0x1  }
0xa7: {  	s23 =	simm.s32 $0x1B8B  }
0xa8: {  	_ =	swait.ge [sflag:s23], $0x1  }
0xa9: {  	[sflag:s23] =	ssyncset.done $0x0  }
0xaa: {  	s25 =	simm.s32 $0x1B8E;
	s24 =	sld [smem:$0x3FFE];
	[sflag:s23] =	ssyncadd.s32 $0xFFFFFFFF  }
0xab: {  	s26 =	simm.s32 $execute0_lowered;
	[smem:$0x3FD2] =	sst s25  }
0xac: {  	s6 =	sshll.u32 s26, $0x1;
	_ =	strace $0x80000046;
	[dreg:$0x1] =	wrdreg $0xFFFFFFFF  }
0xad: {  	s28 =	simm.s32 $_size_execute0_lowered;
	s4 =	sadd.s32 s4, s6;
	[dreg:$0x0] =	wrdreg $0x0  }
0xae: {  	s6 =	sshll.u32 s28, $0x1;
	[dreg:$0x2] =	wrdreg s4  }
0xaf: {  	[dreg:$0x3] =	wrdreg s6  }
0xb0: {  	[dreg:$0x4] =	wrdreg $0xC0  }
0xb1: {  	_ =	task [dreg:s8], $0x5FFFF  }
0xb2: {  	[dreg:$0x1] =	wrdreg $0xFFFFFFFF  }
0xb3: {  	[dreg:$0x0] =	wrdreg $0x60  }
0xb4: {  	[dreg:$0x2] =	wrdreg s24  }
0xb5: {  	[dreg:$0x3] =	wrdreg s17  }
0xb6: {  	[dreg:$0x4] =	wrdreg s16  }
0xb7: {  	[dreg:$0x5] =	wrdreg $0x9  }
0xb8: {  	_ =	task.clear_ibuf [dreg:s8], $0x6FFFF;
	_ =	strace $0x90000046  }
0xb9: {  	s29 =	simm.s32 $0x9;
	_ =	strace $0x80000048  }
0xba: {  	_ =	swait.ge [sflag:s29], $0x1  }
0xbb: {  	[sflag:s29] =	ssyncadd.s32 $0xFFFFFFFF  }
0xbc: {  	_ =	strace $0x90000048  }
0xbd: {  	_ =	sfence  }
0xbe: {  	s30 =	sld [smem:$0x0];
	_ =	sdelay $0x2  }
0xbf: {  	s31 =	sshll.u32 s1, $0xD;
	s1 =	sshrl.u32 s1, $0x2  }
0xc0: {  	s3 =	sand.u32 $0x4000, s31;
	s1 =	sadd.s32 s1, s30  }
0xc1: {  	s0 =	sor.u32 s3, s0;
	s1 =	sshll.u32 s1, $0x11  }
0xc2: {  	s0 =	sor.u32 s1, s0  }
0xc3: {  	s0 =	sadd.s32 $0x8F2B, s0  }
0xc4: {  	[sflag:s0] =	ssyncadd.remote.s32 $0x1  }
0xc5: {  	_ =	sfence.sel $0xFFFF  }
0xc6: {  	[dreg:$0x0] =	wrdreg $0xFFFFFFFF;
	(pc) =	sbr.abs _section_cstart, $3  }
0xc7: {  	[dreg:$0x1] =	wrdreg $0xFFFFFFFF  }
0xc8: {  	_ =	task.clear_ibuf [dreg:s8], $0x2FFFF;
	_ =	strace $0x9FFFFFFF  }
0xc9: {  	(tm) =	ssettm $0x7FFFFFFF  }
tec
execute0_lowered:
.L_overlay_start_1:
0x0: {  	(tag) =	ssettag $0x1  }
0x1: {  	s5 =	rddreg [dreg:$0x0]  }
0x2: {  	s1 =	srdreg.scid;
	s3 =	rddreg [dreg:$0x1]  }
0x3: {  	s0 =	stileid.u32;
	s8 =	rddreg [dreg:$0x2];
	s6 =	sand.u32 $0x1, s1  }
0x4: {  	s2 =	simm.s32 $0x0;
	s4 =	sshll.u32 s0, $0xA;
	s7 =	sshll.u32 s6, $0x9  }
0x5: {  	[smem:$0x7FF] =	sst s2;
	s9 =	sor.u32 s7, s4  }
0x6: {  	s1 =	rddreg [dreg:$0x3];
	_ =	strace $0x80000047;
	s4 =	sshrl.u32 s9, $0x3  }
0x7: {  	s10 =	ssub.s32 $0x2, s6;
	s4 =	sadd.s32 s3, s4;
	s3 =	simm.s32 $0x2  }
0x8: {  	[tilespmem:s2], [sflag:$0x2] =	stream.linear.gather [hbm4b:s4+s2], $0x200, $0x38;
	[tilespmem:$0x8200] =	vst v63  }
0x9: {  	s5 =	sadd.s32 $0x1000, s5;
	s11 =	sshrl.u32 s10, $0x1;
	_ =	swait.ge [sflag:s3], $0x200  }
0xa: {  	s6 =	simm.s32 $0x200;
	s10 =	ssub.s32 s10, s11;
	[sflag:s3] =	ssyncset.done $0x0  }
0xb: {  	s7 =	simm.s32 $0x1;
	s31 =	smax.u32 s10, $0x1;
	[sflag:s3] =	ssyncadd.s32 $0xFFFFFE00  }
0xc: {  	[tilespmem:s6], [sflag:$0x1] =	stream.indirect.gather [hbm4b:s5+s6], $0x40, s2, s6, $0xb8;
	[tilespmem:$0x8200] =	vst v63  }
0xd: {  	p0 =	sne.s32 s31, $0x1;
	_ =	swait.ge [sflag:s7], $0x8000  }
.Ltmp0:
0xe: {  	s9 =	sshll.u32 s9, $0x3;
	[sflag:s7] =	ssyncset.done $0x0;
	(pc) =	sbr.rel @!p0 .LBB2_2-.Ltmp0, $4  }
0xf: {  	s8 =	sadd.s32 s8, s9;
	[sflag:s7] =	ssyncadd.s32 $0xFFFF8000  }
0x10: {  	[hbm4b:s8+s2] =	stream.linear.scatter [tilespmem:s6], [sflag:$0x2], $0x8000, $0x38;
	[tilespmem:$0x8200] =	vst v63  }
0x11: {  	_ =	swait.ge [sflag:s3], $0x8000  }
0x12: {  	s9 =	sadd.s32 $0xFFFFFFFF, s31;
	[sflag:s3] =	ssyncset.done $0x0  }
.LBB2_1:
0x13: {  	p0 =	sne.s32 s9, $0x1;
	s9 =	sadd.s32 $0xFFFFFFFF, s9;
	[sflag:s3] =	ssyncadd.s32 $0xFFFF8000  }
0x14: {  	[tilespmem:s2], [sflag:$0x2] =	stream.linear.gather [hbm4b:s4+s2], $0x200, $0x38;
	[tilespmem:$0x8200] =	vst v63  }
0x15: {  	_ =	swait.ge [sflag:s3], $0x200  }
0x16: {  	[sflag:s3] =	ssyncset.done $0x0  }
0x17: {  	[sflag:s3] =	ssyncadd.s32 $0xFFFFFE00  }
0x18: {  	[tilespmem:s6], [sflag:$0x1] =	stream.indirect.gather [hbm4b:s5+s6], $0x40, s2, s6, $0xb8;
	[tilespmem:$0x8200] =	vst v63  }
0x19: {  	_ =	swait.ge [sflag:s7], $0x8000  }
.Ltmp1:
0x1a: {  	[sflag:s7] =	ssyncset.done $0x0;
	(pc) =	sbr.rel @p0 .LBB2_1-.Ltmp1, $4  }
0x1b: {  	[sflag:s7] =	ssyncadd.s32 $0xFFFF8000  }
0x1c: {  	[hbm4b:s8+s2] =	stream.linear.scatter [tilespmem:s6], [sflag:$0x2], $0x8000, $0x38;
	[tilespmem:$0x8200] =	vst v63  }
0x1d: {  	_ =	swait.ge [sflag:s3], $0x8000  }
0x1e: {  	[sflag:s3] =	ssyncset.done $0x0  }
.LBB2_2:
0x1f: {  	[sflag:s3] =	ssyncadd.s32 $0xFFFF8000  }
0x20: {  	_ =	sfence.sel $0x180000  }
0x21: {  	[bflag:$0x0] =	sbarrier.arrive $0xFFFF  }
0x22: {  	p0 =	sne.s32 s0, $0x0;
	_ =	strace $0x90000047  }
0x23: {  	s0 =	sadd.s32 @!p0 $0x100000, s1;
	[bflag:$0x2] =	sbarrier.arrive $0xFFFF  }
0x24: {  	[sflag:s0] =	ssyncadd.tile.s32 @!p0 $0x1;
	_ =	shalt  }
.Lfunc_end2:
_tile_overlayer_lowered:
.L_overlay_start_2:
0x25: {  	(tag) =	ssettag $0x2  }
0x26: {  	s0 =	rddreg [dreg:$0x0];
	s2 =	stileid.u32  }
0x27: {  	s1 =	rddreg [dreg:$0x1];
	p0 =	sne.s32 s2, $0x0  }
0x28: {  	s3 =	rddreg [dreg:$0x2];
	[bflag:$0x3] =	sbarrier.arrive $0xFFFF;
	s2 =	simm.s32 @!p0 $0x1C02  }
0x29: {  	[timem:s3], [sflag:s2] =	dma.local @!p0 [hbm:s0], s1  }
0x2a: {  	s0 =	simm.s32 @!p0 $0x2  }
0x2b: {  	_ =	swait.ge @!p0 [sflag:s0], s1  }
0x2c: {  	s1 =	ssub.s32 @!p0 $0x0, s1;
	[sflag:s0] =	ssyncset.done @!p0 $0x0  }
0x2d: {  	[sflag:s0] =	ssyncadd.s32 @!p0 s1  }
0x2e: {  	[bflag:$0x3] =	sbarrier.arrive $0xFFFF  }
0x2f: {  	_ =	shalt  }

</sc_bundles>
